<compile_context>
chip_gen: v7x
topology: tpu7x:2x2x1
jax: 0.10.2.dev20260603
libtpu: 0.0.44.dev20260713+nightly
codegen_flags: <defaults>
</compile_context>

<pallas_src>
import functools
import math

import jax
import jax.numpy as jnp
from jax import lax
from jax.experimental import pallas as pl
from jax.experimental.pallas import tpu as pltpu
from jax.experimental.pallas import tpu_sc as plsc

_B = 4096
_F = 26
_D = 128
_V = 26000
_ROWS = _B * _F

_NC = 2
_NS = 16
_NW = _NC * _NS
_RPW = _ROWS // _NW
_CHUNK = 128
_NCHUNKS = _RPW // _CHUNK
_NBUF = 6

_MLP_ROWS = 5200
_MLP_GRID = _V // _MLP_ROWS

_INV_SQRT2 = 1.0 / math.sqrt(2.0)


def _mlp_body(x_ref, w1_ref, b1_ref, w2_ref, b2_ref, o_ref):
    x = x_ref[...]
    h = jnp.dot(x, w1_ref[...], preferred_element_type=jnp.float32) + b1_ref[...]
    h = 0.5 * h * (1.0 + lax.erf(h * _INV_SQRT2))
    o_ref[...] = jnp.dot(h, w2_ref[...], preferred_element_type=jnp.float32) + b2_ref[...]


def _mlp_table(attr_emb, W1, b1, W2, b2):
    return pl.pallas_call(
        _mlp_body,
        grid=(_MLP_GRID,),
        in_specs=[
            pl.BlockSpec((_MLP_ROWS, _D), lambda i: (i, 0)),
            pl.BlockSpec((_D, _D), lambda i: (0, 0)),
            pl.BlockSpec((1, _D), lambda i: (0, 0)),
            pl.BlockSpec((_D, _D), lambda i: (0, 0)),
            pl.BlockSpec((1, _D), lambda i: (0, 0)),
        ],
        out_specs=pl.BlockSpec((_MLP_ROWS, _D), lambda i: (i, 0)),
        out_shape=jax.ShapeDtypeStruct((_V, _D), jnp.float32),
    )(attr_emb, W1, b1[None, :], W2, b2[None, :])


@functools.lru_cache(maxsize=1)
def _sc_gather_kernel():
    @functools.partial(
        pl.kernel,
        out_type=jax.ShapeDtypeStruct((_ROWS, _D), jnp.float32),
        mesh=plsc.VectorSubcoreMesh(core_axis_name="c", subcore_axis_name="s"),
        scratch_types=[
            pltpu.VMEM((_NCHUNKS, _CHUNK), jnp.int32),
            pltpu.VMEM((_NBUF, _CHUNK, _D), jnp.float32),
            pltpu.SemaphoreType.DMA((_NBUF,)),
            pltpu.SemaphoreType.DMA((_NBUF,)),
        ],
    )
    def _sc_gather(table_hbm, idx_hbm, out_hbm, idx_v, bufs, gsems, ssems):
        wid = lax.axis_index("s") * _NC + lax.axis_index("c")
        base = wid * _RPW
        pltpu.sync_copy(idx_hbm.at[wid], idx_v)

        for b in range(_NBUF):
            pltpu.async_copy(table_hbm.at[idx_v.at[b]], bufs.at[b], gsems.at[b])

        def body(j, carry):
            b = lax.rem(j, _NBUF)
            pltpu.make_async_copy(
                table_hbm.at[pl.ds(0, _CHUNK)], bufs.at[b], gsems.at[b]
            ).wait()
            pltpu.async_copy(
                bufs.at[b], out_hbm.at[pl.ds(base + j * _CHUNK, _CHUNK)], ssems.at[b]
            )

            @pl.when(j + _NBUF < _NCHUNKS)
            def _():
                pltpu.make_async_copy(
                    table_hbm.at[pl.ds(0, _CHUNK)], bufs.at[b], ssems.at[b]
                ).wait()
                pltpu.async_copy(
                    table_hbm.at[idx_v.at[j + _NBUF]], bufs.at[b], gsems.at[b]
                )

            return carry

        lax.fori_loop(0, _NCHUNKS, body, 0)

        for b in range(_NBUF):
            pltpu.make_async_copy(
                table_hbm.at[pl.ds(0, _CHUNK)], bufs.at[b], ssems.at[b]
            ).wait()

    return _sc_gather


def kernel(attrs, attr_emb, W1, b1, W2, b2):
    shift = (jnp.arange(_F, dtype=attrs.dtype) * 1000)[:, None]
    idx = (attrs.T + shift).reshape(_NW, _NCHUNKS, _CHUNK)
    out_table = _mlp_table(attr_emb, W1, b1, W2, b2)
    out_flat = _sc_gather_kernel()(out_table, idx)
    return out_flat.reshape(_F, _B, _D).transpose(1, 0, 2)

# --- scband reference (transcript-rebuilt; emitter-appended) ---
"""Pipeline reference for scband-discrete-attribute-encoder-73280732004861 (READ-ONLY COPY).

The authoritative reference and input builder live on the scoring server;
editing this copy changes nothing except your own understanding.
"""

import jax, jax.numpy as jnp
import numpy as np

NUM_ATTR_OPS = [1000] * 26
EMB_DIM = 128
TOTAL_VOCAB = int(sum(NUM_ATTR_OPS))
BATCH = 4096
NFIELDS = len(NUM_ATTR_OPS)


def setup_inputs(seed: int = 0) -> dict:
    key = jax.random.key(seed)
    k1, k2, k3, k4 = jax.random.split(key, 4)
    attrs = jax.random.randint(k1, (BATCH, NFIELDS), 0, 1000, dtype=jnp.int32)
    attr_emb = jax.random.normal(k2, (TOTAL_VOCAB, EMB_DIM), dtype=jnp.float32) * 0.02
    W1 = jax.random.normal(k3, (EMB_DIM, EMB_DIM), dtype=jnp.float32) * (1.0 / np.sqrt(EMB_DIM))
    b1 = jnp.zeros((EMB_DIM,), dtype=jnp.float32)
    W2 = jax.random.normal(k4, (EMB_DIM, EMB_DIM), dtype=jnp.float32) * (1.0 / np.sqrt(EMB_DIM))
    b2 = jnp.zeros((EMB_DIM,), dtype=jnp.float32)
    return {"attrs": attrs, "attr_emb": attr_emb, "W1": W1, "b1": b1, "W2": W2, "b2": b2}


def reference(attrs, attr_emb, W1, b1, W2, b2):
    # attr_shift buffer: cumulative offsets per field
    shift_np = np.concatenate([[0], np.cumsum(NUM_ATTR_OPS)])[:-1]
    attr_shift = jnp.asarray(shift_np, dtype=attrs.dtype)[None, :]  # [1, F]
    # attrs are generated non-negative, so the unknown-index replacement branch is a no-op
    idx = attrs + attr_shift  # [B, F]
    emb = jnp.take(attr_emb, idx, axis=0)  # [B, F, D] embedding gather
    h = jax.nn.gelu(emb @ W1 + b1, approximate=False)  # torch nn.GELU is exact erf
    out = h @ W2 + b2
    return out

if __name__ == "__main__":
    import jax
    _d = setup_inputs()
    print(jax.jit(kernel)(*tuple(_d.values())))

</pallas_src>

<mosaic_0001>
#map = affine_map<(d0, d1) -> (0, 0)>
#map1 = affine_map<(d0, d1) -> (0, 0, 0)>
module attributes {stable_mosaic.version = 14 : i64} {
  func.func @_sc_gather(%arg0: i32, %arg1: i32, %arg2: memref<26000x128xf32, #tpu.memory_space<hbm>>, %arg3: memref<32x26x128xi32, #tpu.memory_space<hbm>>, %arg4: memref<106496x128xf32, #tpu.memory_space<hbm>>, %arg5: memref<26x128xi32, #tpu.memory_space<vmem>>, %arg6: memref<6x128x128xf32, #tpu.memory_space<vmem>>, %arg7: memref<6x!tpu.dma_semaphore, #tpu.memory_space<semaphore_mem>>, %arg8: memref<6x!tpu.dma_semaphore, #tpu.memory_space<semaphore_mem>>) attributes {dimension_semantics = [#tpu.dimension_semantics<core_parallel>, #tpu.dimension_semantics<subcore_parallel>], iteration_bounds = array<i64: 2, 16>, scalar_prefetch = 0 : i64, scratch_operands = 4 : i64, tpu.core_type = #tpu.core_type<sc_vector_subcore>, window_params = [{transform_indices = #map}, {transform_indices = #map1}, {transform_indices = #map}]} {
    %mul3A = arith.constant 2 : i32
    %mul3A_0 = arith.muli %arg1, %mul3A : i32
    %add3A = arith.addi %mul3A_0, %arg0 : i32
    %mul3A_1 = arith.constant 3328 : i32
    %mul3A_2 = arith.muli %add3A, %mul3A_1 : i32
    "tpu.region"() ({
      %run_scoped3A = tpu.sem_alloc : memref<!tpu.dma_semaphore, #tpu.memory_space<semaphore_mem>>
      %dma_start3A_204 = arith.constant 0 : i32
      %dma_start3A_205 = arith.constant 0 : i32
      %dma_start3A_206 = tpu.memref_slice %arg3[%add3A, %dma_start3A_204, %dma_start3A_205] : memref<32x26x128xi32, #tpu.memory_space<hbm>> -> memref<1x26x128xi32, #tpu.memory_space<hbm>>
      %dma_start3A_207 = tpu.memref_squeeze %dma_start3A_206 : memref<1x26x128xi32, #tpu.memory_space<hbm>> -> memref<26x128xi32, #tpu.memory_space<hbm>>
      %dma_start3A_208 = arith.constant 0 : i32
      %dma_start3A_209 = arith.constant 0 : i32
      %dma_start3A_210 = tpu.memref_slice %arg3[%add3A, %dma_start3A_208, %dma_start3A_209] : memref<32x26x128xi32, #tpu.memory_space<hbm>> -> memref<1x26x128xi32, #tpu.memory_space<hbm>>
      %dma_start3A_211 = tpu.memref_squeeze %dma_start3A_210 : memref<1x26x128xi32, #tpu.memory_space<hbm>> -> memref<26x128xi32, #tpu.memory_space<hbm>>
      tpu.enqueue_dma source(%dma_start3A_211 : memref<26x128xi32, #tpu.memory_space<hbm>>) target(%arg5 : memref<26x128xi32, #tpu.memory_space<vmem>>) target_semaphore(%run_scoped3A : memref<!tpu.dma_semaphore, #tpu.memory_space<semaphore_mem>>)
      %dma_wait3A_212 = arith.constant 0 : i32
      %dma_wait3A_213 = arith.constant 0 : i32
      %dma_wait3A_214 = tpu.memref_slice %arg3[%add3A, %dma_wait3A_212, %dma_wait3A_213] : memref<32x26x128xi32, #tpu.memory_space<hbm>> -> memref<1x26x128xi32, #tpu.memory_space<hbm>>
      %dma_wait3A_215 = tpu.memref_squeeze %dma_wait3A_214 : memref<1x26x128xi32, #tpu.memory_space<hbm>> -> memref<26x128xi32, #tpu.memory_space<hbm>>
      %dma_wait3A_216 = arith.constant 0 : i32
      %dma_wait3A_217 = arith.constant 0 : i32
      %dma_wait3A_218 = tpu.memref_slice %arg3[%add3A, %dma_wait3A_216, %dma_wait3A_217] : memref<32x26x128xi32, #tpu.memory_space<hbm>> -> memref<1x26x128xi32, #tpu.memory_space<hbm>>
      %dma_wait3A_219 = tpu.memref_squeeze %dma_wait3A_218 : memref<1x26x128xi32, #tpu.memory_space<hbm>> -> memref<26x128xi32, #tpu.memory_space<hbm>>
      tpu.wait_dma2 semaphore(%run_scoped3A : memref<!tpu.dma_semaphore, #tpu.memory_space<semaphore_mem>>) src(%dma_wait3A_219 : memref<26x128xi32, #tpu.memory_space<hbm>>) dst(%arg5 : memref<26x128xi32, #tpu.memory_space<vmem>>)
      tpu.yield
    }) : () -> ()
    %dma_start3A = arith.constant 0 : i32
    %dma_start3A_3 = arith.constant 0 : i32
    %dma_start3A_4 = arith.constant 0 : i32
    %dma_start3A_5 = arith.constant 0 : i32
    %dma_start3A_6 = arith.constant 0 : i32
    %dma_start3A_7 = tpu.memref_slice %arg6[%dma_start3A_3, %dma_start3A_5, %dma_start3A_6] : memref<6x128x128xf32, #tpu.memory_space<vmem>> -> memref<1x128x128xf32, #tpu.memory_space<vmem>>
    %dma_start3A_8 = tpu.memref_squeeze %dma_start3A_7 : memref<1x128x128xf32, #tpu.memory_space<vmem>> -> memref<128x128xf32, #tpu.memory_space<vmem>>
    %dma_start3A_9 = arith.constant 0 : i32
    %dma_start3A_10 = tpu.memref_slice %arg5[%dma_start3A, %dma_start3A_9] : memref<26x128xi32, #tpu.memory_space<vmem>> -> memref<1x128xi32, #tpu.memory_space<vmem>>
    %dma_start3A_11 = tpu.memref_squeeze %dma_start3A_10 : memref<1x128xi32, #tpu.memory_space<vmem>> -> memref<128xi32, #tpu.memory_space<vmem>>
    %dma_start3A_12 = arith.constant 0 : i32
    %dma_start3A_13 = arith.constant 0 : i32
    %dma_start3A_14 = tpu.memref_slice %arg2[%dma_start3A_12, %dma_start3A_13] : memref<26000x128xf32, #tpu.memory_space<hbm>> -> memref<26000x128xf32, #tpu.memory_space<hbm>>
    %dma_start3A_15 = tpu.memref_slice %arg7[%dma_start3A_4] : memref<6x!tpu.dma_semaphore, #tpu.memory_space<semaphore_mem>> -> memref<1x!tpu.dma_semaphore, #tpu.memory_space<semaphore_mem>>
    %dma_start3A_16 = tpu.memref_squeeze %dma_start3A_15 : memref<1x!tpu.dma_semaphore, #tpu.memory_space<semaphore_mem>> -> memref<!tpu.dma_semaphore, #tpu.memory_space<semaphore_mem>>
    tpu.enqueue_indirect_dma source(%dma_start3A_14 : memref<26000x128xf32, #tpu.memory_space<hbm>>) target(%dma_start3A_8 : memref<128x128xf32, #tpu.memory_space<vmem>>) offsets(%dma_start3A_11 : memref<128xi32, #tpu.memory_space<vmem>>) semaphore(%dma_start3A_16 : memref<!tpu.dma_semaphore, #tpu.memory_space<semaphore_mem>>)
    %dma_start3A_17 = arith.constant 1 : i32
    %dma_start3A_18 = arith.constant 1 : i32
    %dma_start3A_19 = arith.constant 1 : i32
    %dma_start3A_20 = arith.constant 0 : i32
    %dma_start3A_21 = arith.constant 0 : i32
    %dma_start3A_22 = tpu.memref_slice %arg6[%dma_start3A_18, %dma_start3A_20, %dma_start3A_21] : memref<6x128x128xf32, #tpu.memory_space<vmem>> -> memref<1x128x128xf32, #tpu.memory_space<vmem>>
    %dma_start3A_23 = tpu.memref_squeeze %dma_start3A_22 : memref<1x128x128xf32, #tpu.memory_space<vmem>> -> memref<128x128xf32, #tpu.memory_space<vmem>>
    %dma_start3A_24 = arith.constant 0 : i32
    %dma_start3A_25 = tpu.memref_slice %arg5[%dma_start3A_17, %dma_start3A_24] : memref<26x128xi32, #tpu.memory_space<vmem>> -> memref<1x128xi32, #tpu.memory_space<vmem>>
    %dma_start3A_26 = tpu.memref_squeeze %dma_start3A_25 : memref<1x128xi32, #tpu.memory_space<vmem>> -> memref<128xi32, #tpu.memory_space<vmem>>
    %dma_start3A_27 = arith.constant 0 : i32
    %dma_start3A_28 = arith.constant 0 : i32
    %dma_start3A_29 = tpu.memref_slice %arg2[%dma_start3A_27, %dma_start3A_28] : memref<26000x128xf32, #tpu.memory_space<hbm>> -> memref<26000x128xf32, #tpu.memory_space<hbm>>
    %dma_start3A_30 = tpu.memref_slice %arg7[%dma_start3A_19] : memref<6x!tpu.dma_semaphore, #tpu.memory_space<semaphore_mem>> -> memref<1x!tpu.dma_semaphore, #tpu.memory_space<semaphore_mem>>
    %dma_start3A_31 = tpu.memref_squeeze %dma_start3A_30 : memref<1x!tpu.dma_semaphore, #tpu.memory_space<semaphore_mem>> -> memref<!tpu.dma_semaphore, #tpu.memory_space<semaphore_mem>>
    tpu.enqueue_indirect_dma source(%dma_start3A_29 : memref<26000x128xf32, #tpu.memory_space<hbm>>) target(%dma_start3A_23 : memref<128x128xf32, #tpu.memory_space<vmem>>) offsets(%dma_start3A_26 : memref<128xi32, #tpu.memory_space<vmem>>) semaphore(%dma_start3A_31 : memref<!tpu.dma_semaphore, #tpu.memory_space<semaphore_mem>>)
    %dma_start3A_32 = arith.constant 2 : i32
    %dma_start3A_33 = arith.constant 2 : i32
    %dma_start3A_34 = arith.constant 2 : i32
    %dma_start3A_35 = arith.constant 0 : i32
    %dma_start3A_36 = arith.constant 0 : i32
    %dma_start3A_37 = tpu.memref_slice %arg6[%dma_start3A_33, %dma_start3A_35, %dma_start3A_36] : memref<6x128x128xf32, #tpu.memory_space<vmem>> -> memref<1x128x128xf32, #tpu.memory_space<vmem>>
    %dma_start3A_38 = tpu.memref_squeeze %dma_start3A_37 : memref<1x128x128xf32, #tpu.memory_space<vmem>> -> memref<128x128xf32, #tpu.memory_space<vmem>>
    %dma_start3A_39 = arith.constant 0 : i32
    %dma_start3A_40 = tpu.memref_slice %arg5[%dma_start3A_32, %dma_start3A_39] : memref<26x128xi32, #tpu.memory_space<vmem>> -> memref<1x128xi32, #tpu.memory_space<vmem>>
    %dma_start3A_41 = tpu.memref_squeeze %dma_start3A_40 : memref<1x128xi32, #tpu.memory_space<vmem>> -> memref<128xi32, #tpu.memory_space<vmem>>
    %dma_start3A_42 = arith.constant 0 : i32
    %dma_start3A_43 = arith.constant 0 : i32
    %dma_start3A_44 = tpu.memref_slice %arg2[%dma_start3A_42, %dma_start3A_43] : memref<26000x128xf32, #tpu.memory_space<hbm>> -> memref<26000x128xf32, #tpu.memory_space<hbm>>
    %dma_start3A_45 = tpu.memref_slice %arg7[%dma_start3A_34] : memref<6x!tpu.dma_semaphore, #tpu.memory_space<semaphore_mem>> -> memref<1x!tpu.dma_semaphore, #tpu.memory_space<semaphore_mem>>
    %dma_start3A_46 = tpu.memref_squeeze %dma_start3A_45 : memref<1x!tpu.dma_semaphore, #tpu.memory_space<semaphore_mem>> -> memref<!tpu.dma_semaphore, #tpu.memory_space<semaphore_mem>>
    tpu.enqueue_indirect_dma source(%dma_start3A_44 : memref<26000x128xf32, #tpu.memory_space<hbm>>) target(%dma_start3A_38 : memref<128x128xf32, #tpu.memory_space<vmem>>) offsets(%dma_start3A_41 : memref<128xi32, #tpu.memory_space<vmem>>) semaphore(%dma_start3A_46 : memref<!tpu.dma_semaphore, #tpu.memory_space<semaphore_mem>>)
    %dma_start3A_47 = arith.constant 3 : i32
    %dma_start3A_48 = arith.constant 3 : i32
    %dma_start3A_49 = arith.constant 3 : i32
    %dma_start3A_50 = arith.constant 0 : i32
    %dma_start3A_51 = arith.constant 0 : i32
    %dma_start3A_52 = tpu.memref_slice %arg6[%dma_start3A_48, %dma_start3A_50, %dma_start3A_51] : memref<6x128x128xf32, #tpu.memory_space<vmem>> -> memref<1x128x128xf32, #tpu.memory_space<vmem>>
    %dma_start3A_53 = tpu.memref_squeeze %dma_start3A_52 : memref<1x128x128xf32, #tpu.memory_space<vmem>> -> memref<128x128xf32, #tpu.memory_space<vmem>>
    %dma_start3A_54 = arith.constant 0 : i32
    %dma_start3A_55 = tpu.memref_slice %arg5[%dma_start3A_47, %dma_start3A_54] : memref<26x128xi32, #tpu.memory_space<vmem>> -> memref<1x128xi32, #tpu.memory_space<vmem>>
    %dma_start3A_56 = tpu.memref_squeeze %dma_start3A_55 : memref<1x128xi32, #tpu.memory_space<vmem>> -> memref<128xi32, #tpu.memory_space<vmem>>
    %dma_start3A_57 = arith.constant 0 : i32
    %dma_start3A_58 = arith.constant 0 : i32
    %dma_start3A_59 = tpu.memref_slice %arg2[%dma_start3A_57, %dma_start3A_58] : memref<26000x128xf32, #tpu.memory_space<hbm>> -> memref<26000x128xf32, #tpu.memory_space<hbm>>
    %dma_start3A_60 = tpu.memref_slice %arg7[%dma_start3A_49] : memref<6x!tpu.dma_semaphore, #tpu.memory_space<semaphore_mem>> -> memref<1x!tpu.dma_semaphore, #tpu.memory_space<semaphore_mem>>
    %dma_start3A_61 = tpu.memref_squeeze %dma_start3A_60 : memref<1x!tpu.dma_semaphore, #tpu.memory_space<semaphore_mem>> -> memref<!tpu.dma_semaphore, #tpu.memory_space<semaphore_mem>>
    tpu.enqueue_indirect_dma source(%dma_start3A_59 : memref<26000x128xf32, #tpu.memory_space<hbm>>) target(%dma_start3A_53 : memref<128x128xf32, #tpu.memory_space<vmem>>) offsets(%dma_start3A_56 : memref<128xi32, #tpu.memory_space<vmem>>) semaphore(%dma_start3A_61 : memref<!tpu.dma_semaphore, #tpu.memory_space<semaphore_mem>>)
    %dma_start3A_62 = arith.constant 4 : i32
    %dma_start3A_63 = arith.constant 4 : i32
    %dma_start3A_64 = arith.constant 4 : i32
    %dma_start3A_65 = arith.constant 0 : i32
    %dma_start3A_66 = arith.constant 0 : i32
    %dma_start3A_67 = tpu.memref_slice %arg6[%dma_start3A_63, %dma_start3A_65, %dma_start3A_66] : memref<6x128x128xf32, #tpu.memory_space<vmem>> -> memref<1x128x128xf32, #tpu.memory_space<vmem>>
    %dma_start3A_68 = tpu.memref_squeeze %dma_start3A_67 : memref<1x128x128xf32, #tpu.memory_space<vmem>> -> memref<128x128xf32, #tpu.memory_space<vmem>>
    %dma_start3A_69 = arith.constant 0 : i32
    %dma_start3A_70 = tpu.memref_slice %arg5[%dma_start3A_62, %dma_start3A_69] : memref<26x128xi32, #tpu.memory_space<vmem>> -> memref<1x128xi32, #tpu.memory_space<vmem>>
    %dma_start3A_71 = tpu.memref_squeeze %dma_start3A_70 : memref<1x128xi32, #tpu.memory_space<vmem>> -> memref<128xi32, #tpu.memory_space<vmem>>
    %dma_start3A_72 = arith.constant 0 : i32
    %dma_start3A_73 = arith.constant 0 : i32
    %dma_start3A_74 = tpu.memref_slice %arg2[%dma_start3A_72, %dma_start3A_73] : memref<26000x128xf32, #tpu.memory_space<hbm>> -> memref<26000x128xf32, #tpu.memory_space<hbm>>
    %dma_start3A_75 = tpu.memref_slice %arg7[%dma_start3A_64] : memref<6x!tpu.dma_semaphore, #tpu.memory_space<semaphore_mem>> -> memref<1x!tpu.dma_semaphore, #tpu.memory_space<semaphore_mem>>
    %dma_start3A_76 = tpu.memref_squeeze %dma_start3A_75 : memref<1x!tpu.dma_semaphore, #tpu.memory_space<semaphore_mem>> -> memref<!tpu.dma_semaphore, #tpu.memory_space<semaphore_mem>>
    tpu.enqueue_indirect_dma source(%dma_start3A_74 : memref<26000x128xf32, #tpu.memory_space<hbm>>) target(%dma_start3A_68 : memref<128x128xf32, #tpu.memory_space<vmem>>) offsets(%dma_start3A_71 : memref<128xi32, #tpu.memory_space<vmem>>) semaphore(%dma_start3A_76 : memref<!tpu.dma_semaphore, #tpu.memory_space<semaphore_mem>>)
    %dma_start3A_77 = arith.constant 5 : i32
    %dma_start3A_78 = arith.constant 5 : i32
    %dma_start3A_79 = arith.constant 5 : i32
    %dma_start3A_80 = arith.constant 0 : i32
    %dma_start3A_81 = arith.constant 0 : i32
    %dma_start3A_82 = tpu.memref_slice %arg6[%dma_start3A_78, %dma_start3A_80, %dma_start3A_81] : memref<6x128x128xf32, #tpu.memory_space<vmem>> -> memref<1x128x128xf32, #tpu.memory_space<vmem>>
    %dma_start3A_83 = tpu.memref_squeeze %dma_start3A_82 : memref<1x128x128xf32, #tpu.memory_space<vmem>> -> memref<128x128xf32, #tpu.memory_space<vmem>>
    %dma_start3A_84 = arith.constant 0 : i32
    %dma_start3A_85 = tpu.memref_slice %arg5[%dma_start3A_77, %dma_start3A_84] : memref<26x128xi32, #tpu.memory_space<vmem>> -> memref<1x128xi32, #tpu.memory_space<vmem>>
    %dma_start3A_86 = tpu.memref_squeeze %dma_start3A_85 : memref<1x128xi32, #tpu.memory_space<vmem>> -> memref<128xi32, #tpu.memory_space<vmem>>
    %dma_start3A_87 = arith.constant 0 : i32
    %dma_start3A_88 = arith.constant 0 : i32
    %dma_start3A_89 = tpu.memref_slice %arg2[%dma_start3A_87, %dma_start3A_88] : memref<26000x128xf32, #tpu.memory_space<hbm>> -> memref<26000x128xf32, #tpu.memory_space<hbm>>
    %dma_start3A_90 = tpu.memref_slice %arg7[%dma_start3A_79] : memref<6x!tpu.dma_semaphore, #tpu.memory_space<semaphore_mem>> -> memref<1x!tpu.dma_semaphore, #tpu.memory_space<semaphore_mem>>
    %dma_start3A_91 = tpu.memref_squeeze %dma_start3A_90 : memref<1x!tpu.dma_semaphore, #tpu.memory_space<semaphore_mem>> -> memref<!tpu.dma_semaphore, #tpu.memory_space<semaphore_mem>>
    tpu.enqueue_indirect_dma source(%dma_start3A_89 : memref<26000x128xf32, #tpu.memory_space<hbm>>) target(%dma_start3A_83 : memref<128x128xf32, #tpu.memory_space<vmem>>) offsets(%dma_start3A_86 : memref<128xi32, #tpu.memory_space<vmem>>) semaphore(%dma_start3A_91 : memref<!tpu.dma_semaphore, #tpu.memory_space<semaphore_mem>>)
    %scan3A = arith.constant 0 : i32
    %scan3A_92 = arith.constant 0 : i32
    %scan3A_93 = arith.constant 26 : i32
    %scan3A_94 = arith.addi %scan3A_92, %scan3A_93 : i32
    %scan3A_95 = arith.constant 1 : i32
    scf.for %scan3A_204 = %scan3A_92 to %scan3A_94 step %scan3A_95  : i32 {
      %rem3A = arith.constant 6 : i32
      %rem3A_205 = arith.remsi %scan3A_204, %rem3A : i32
      %dma_wait3A_206 = arith.constant 0 : i32
      %dma_wait3A_207 = arith.constant 0 : i32
      %dma_wait3A_208 = tpu.memref_slice %arg6[%rem3A_205, %dma_wait3A_206, %dma_wait3A_207] : memref<6x128x128xf32, #tpu.memory_space<vmem>> -> memref<1x128x128xf32, #tpu.memory_space<vmem>>
      %dma_wait3A_209 = tpu.memref_squeeze %dma_wait3A_208 : memref<1x128x128xf32, #tpu.memory_space<vmem>> -> memref<128x128xf32, #tpu.memory_space<vmem>>
      %dma_wait3A_210 = arith.constant 0 : i32
      %dma_wait3A_211 = arith.constant 0 : i32
      %dma_wait3A_212 = tpu.memref_slice %arg2[%dma_wait3A_210, %dma_wait3A_211] : memref<26000x128xf32, #tpu.memory_space<hbm>> -> memref<128x128xf32, #tpu.memory_space<hbm>>
      %dma_wait3A_213 = tpu.memref_slice %arg7[%rem3A_205] : memref<6x!tpu.dma_semaphore, #tpu.memory_space<semaphore_mem>> -> memref<1x!tpu.dma_semaphore, #tpu.memory_space<semaphore_mem>>
      %dma_wait3A_214 = tpu.memref_squeeze %dma_wait3A_213 : memref<1x!tpu.dma_semaphore, #tpu.memory_space<semaphore_mem>> -> memref<!tpu.dma_semaphore, #tpu.memory_space<semaphore_mem>>
      %dma_wait3A_215 = arith.constant 0 : i32
      %dma_wait3A_216 = arith.constant 0 : i32
      %dma_wait3A_217 = tpu.memref_slice %arg6[%rem3A_205, %dma_wait3A_215, %dma_wait3A_216] : memref<6x128x128xf32, #tpu.memory_space<vmem>> -> memref<1x128x128xf32, #tpu.memory_space<vmem>>
      %dma_wait3A_218 = tpu.memref_squeeze %dma_wait3A_217 : memref<1x128x128xf32, #tpu.memory_space<vmem>> -> memref<128x128xf32, #tpu.memory_space<vmem>>
      %dma_wait3A_219 = arith.constant 0 : i32
      %dma_wait3A_220 = arith.constant 0 : i32
      %dma_wait3A_221 = tpu.memref_slice %arg2[%dma_wait3A_219, %dma_wait3A_220] : memref<26000x128xf32, #tpu.memory_space<hbm>> -> memref<128x128xf32, #tpu.memory_space<hbm>>
      tpu.wait_dma2 semaphore(%dma_wait3A_214 : memref<!tpu.dma_semaphore, #tpu.memory_space<semaphore_mem>>) src(%dma_wait3A_221 : memref<128x128xf32, #tpu.memory_space<hbm>>) dst(%dma_wait3A_218 : memref<128x128xf32, #tpu.memory_space<vmem>>)
      %mul3A_222 = arith.constant 128 : i32
      %mul3A_223 = arith.muli %scan3A_204, %mul3A_222 : i32
      %add3A_224 = arith.addi %mul3A_2, %mul3A_223 : i32
      %dma_start3A_225 = arith.constant 0 : i32
      %dma_start3A_226 = arith.constant 0 : i32
      %dma_start3A_227 = tpu.memref_slice %arg6[%rem3A_205, %dma_start3A_225, %dma_start3A_226] : memref<6x128x128xf32, #tpu.memory_space<vmem>> -> memref<1x128x128xf32, #tpu.memory_space<vmem>>
      %dma_start3A_228 = tpu.memref_squeeze %dma_start3A_227 : memref<1x128x128xf32, #tpu.memory_space<vmem>> -> memref<128x128xf32, #tpu.memory_space<vmem>>
      %dma_start3A_229 = arith.constant 0 : i32
      %dma_start3A_230 = tpu.memref_slice %arg4[%add3A_224, %dma_start3A_229] : memref<106496x128xf32, #tpu.memory_space<hbm>> -> memref<128x128xf32, #tpu.memory_space<hbm>>
      %dma_start3A_231 = tpu.memref_slice %arg8[%rem3A_205] : memref<6x!tpu.dma_semaphore, #tpu.memory_space<semaphore_mem>> -> memref<1x!tpu.dma_semaphore, #tpu.memory_space<semaphore_mem>>
      %dma_start3A_232 = tpu.memref_squeeze %dma_start3A_231 : memref<1x!tpu.dma_semaphore, #tpu.memory_space<semaphore_mem>> -> memref<!tpu.dma_semaphore, #tpu.memory_space<semaphore_mem>>
      %dma_start3A_233 = arith.constant 0 : i32
      %dma_start3A_234 = tpu.memref_slice %arg4[%add3A_224, %dma_start3A_233] : memref<106496x128xf32, #tpu.memory_space<hbm>> -> memref<128x128xf32, #tpu.memory_space<hbm>>
      %dma_start3A_235 = arith.constant 0 : i32
      %dma_start3A_236 = arith.constant 0 : i32
      %dma_start3A_237 = tpu.memref_slice %arg6[%rem3A_205, %dma_start3A_235, %dma_start3A_236] : memref<6x128x128xf32, #tpu.memory_space<vmem>> -> memref<1x128x128xf32, #tpu.memory_space<vmem>>
      %dma_start3A_238 = tpu.memref_squeeze %dma_start3A_237 : memref<1x128x128xf32, #tpu.memory_space<vmem>> -> memref<128x128xf32, #tpu.memory_space<vmem>>
      tpu.enqueue_dma source(%dma_start3A_238 : memref<128x128xf32, #tpu.memory_space<vmem>>) target(%dma_start3A_234 : memref<128x128xf32, #tpu.memory_space<hbm>>) target_semaphore(%dma_start3A_232 : memref<!tpu.dma_semaphore, #tpu.memory_space<semaphore_mem>>)
      %add3A_239 = arith.constant 6 : i32
      %add3A_240 = arith.addi %scan3A_204, %add3A_239 : i32
      %lt3A = arith.constant 26 : i32
      %lt3A_241 = arith.cmpi slt, %add3A_240, %lt3A : i32
      %convert_element_type3A = arith.extui %lt3A_241 : i1 to i32
      %cond3A = arith.constant 0 : i32
      %cond3A_242 = arith.cmpi ne, %convert_element_type3A, %cond3A : i32
      scf.if %cond3A_242 {
        %dma_wait3A_243 = arith.constant 0 : i32
        %dma_wait3A_244 = arith.constant 0 : i32
        %dma_wait3A_245 = tpu.memref_slice %arg6[%rem3A_205, %dma_wait3A_243, %dma_wait3A_244] : memref<6x128x128xf32, #tpu.memory_space<vmem>> -> memref<1x128x128xf32, #tpu.memory_space<vmem>>
        %dma_wait3A_246 = tpu.memref_squeeze %dma_wait3A_245 : memref<1x128x128xf32, #tpu.memory_space<vmem>> -> memref<128x128xf32, #tpu.memory_space<vmem>>
        %dma_wait3A_247 = arith.constant 0 : i32
        %dma_wait3A_248 = arith.constant 0 : i32
        %dma_wait3A_249 = tpu.memref_slice %arg2[%dma_wait3A_247, %dma_wait3A_248] : memref<26000x128xf32, #tpu.memory_space<hbm>> -> memref<128x128xf32, #tpu.memory_space<hbm>>
        %dma_wait3A_250 = tpu.memref_slice %arg8[%rem3A_205] : memref<6x!tpu.dma_semaphore, #tpu.memory_space<semaphore_mem>> -> memref<1x!tpu.dma_semaphore, #tpu.memory_space<semaphore_mem>>
        %dma_wait3A_251 = tpu.memref_squeeze %dma_wait3A_250 : memref<1x!tpu.dma_semaphore, #tpu.memory_space<semaphore_mem>> -> memref<!tpu.dma_semaphore, #tpu.memory_space<semaphore_mem>>
        %dma_wait3A_252 = arith.constant 0 : i32
        %dma_wait3A_253 = arith.constant 0 : i32
        %dma_wait3A_254 = tpu.memref_slice %arg6[%rem3A_205, %dma_wait3A_252, %dma_wait3A_253] : memref<6x128x128xf32, #tpu.memory_space<vmem>> -> memref<1x128x128xf32, #tpu.memory_space<vmem>>
        %dma_wait3A_255 = tpu.memref_squeeze %dma_wait3A_254 : memref<1x128x128xf32, #tpu.memory_space<vmem>> -> memref<128x128xf32, #tpu.memory_space<vmem>>
        %dma_wait3A_256 = arith.constant 0 : i32
        %dma_wait3A_257 = arith.constant 0 : i32
        %dma_wait3A_258 = tpu.memref_slice %arg2[%dma_wait3A_256, %dma_wait3A_257] : memref<26000x128xf32, #tpu.memory_space<hbm>> -> memref<128x128xf32, #tpu.memory_space<hbm>>
        tpu.wait_dma2 semaphore(%dma_wait3A_251 : memref<!tpu.dma_semaphore, #tpu.memory_space<semaphore_mem>>) src(%dma_wait3A_258 : memref<128x128xf32, #tpu.memory_space<hbm>>) dst(%dma_wait3A_255 : memref<128x128xf32, #tpu.memory_space<vmem>>)
        %add3A_259 = arith.constant 6 : i32
        %add3A_260 = arith.addi %scan3A_204, %add3A_259 : i32
        %dma_start3A_261 = arith.constant 0 : i32
        %dma_start3A_262 = arith.constant 0 : i32
        %dma_start3A_263 = tpu.memref_slice %arg6[%rem3A_205, %dma_start3A_261, %dma_start3A_262] : memref<6x128x128xf32, #tpu.memory_space<vmem>> -> memref<1x128x128xf32, #tpu.memory_space<vmem>>
        %dma_start3A_264 = tpu.memref_squeeze %dma_start3A_263 : memref<1x128x128xf32, #tpu.memory_space<vmem>> -> memref<128x128xf32, #tpu.memory_space<vmem>>
        %dma_start3A_265 = arith.constant 0 : i32
        %dma_start3A_266 = tpu.memref_slice %arg5[%add3A_260, %dma_start3A_265] : memref<26x128xi32, #tpu.memory_space<vmem>> -> memref<1x128xi32, #tpu.memory_space<vmem>>
        %dma_start3A_267 = tpu.memref_squeeze %dma_start3A_266 : memref<1x128xi32, #tpu.memory_space<vmem>> -> memref<128xi32, #tpu.memory_space<vmem>>
        %dma_start3A_268 = arith.constant 0 : i32
        %dma_start3A_269 = arith.constant 0 : i32
        %dma_start3A_270 = tpu.memref_slice %arg2[%dma_start3A_268, %dma_start3A_269] : memref<26000x128xf32, #tpu.memory_space<hbm>> -> memref<26000x128xf32, #tpu.memory_space<hbm>>
        %dma_start3A_271 = tpu.memref_slice %arg7[%rem3A_205] : memref<6x!tpu.dma_semaphore, #tpu.memory_space<semaphore_mem>> -> memref<1x!tpu.dma_semaphore, #tpu.memory_space<semaphore_mem>>
        %dma_start3A_272 = tpu.memref_squeeze %dma_start3A_271 : memref<1x!tpu.dma_semaphore, #tpu.memory_space<semaphore_mem>> -> memref<!tpu.dma_semaphore, #tpu.memory_space<semaphore_mem>>
        tpu.enqueue_indirect_dma source(%dma_start3A_270 : memref<26000x128xf32, #tpu.memory_space<hbm>>) target(%dma_start3A_264 : memref<128x128xf32, #tpu.memory_space<vmem>>) offsets(%dma_start3A_267 : memref<128xi32, #tpu.memory_space<vmem>>) semaphore(%dma_start3A_272 : memref<!tpu.dma_semaphore, #tpu.memory_space<semaphore_mem>>)
      } else {
      }
    }
    %scan3A_96 = arith.constant 26 : i32
    %dma_wait3A = arith.constant 0 : i32
    %dma_wait3A_97 = arith.constant 0 : i32
    %dma_wait3A_98 = arith.constant 0 : i32
    %dma_wait3A_99 = arith.constant 0 : i32
    %dma_wait3A_100 = tpu.memref_slice %arg6[%dma_wait3A, %dma_wait3A_98, %dma_wait3A_99] : memref<6x128x128xf32, #tpu.memory_space<vmem>> -> memref<1x128x128xf32, #tpu.memory_space<vmem>>
    %dma_wait3A_101 = tpu.memref_squeeze %dma_wait3A_100 : memref<1x128x128xf32, #tpu.memory_space<vmem>> -> memref<128x128xf32, #tpu.memory_space<vmem>>
    %dma_wait3A_102 = arith.constant 0 : i32
    %dma_wait3A_103 = arith.constant 0 : i32
    %dma_wait3A_104 = tpu.memref_slice %arg2[%dma_wait3A_102, %dma_wait3A_103] : memref<26000x128xf32, #tpu.memory_space<hbm>> -> memref<128x128xf32, #tpu.memory_space<hbm>>
    %dma_wait3A_105 = tpu.memref_slice %arg8[%dma_wait3A_97] : memref<6x!tpu.dma_semaphore, #tpu.memory_space<semaphore_mem>> -> memref<1x!tpu.dma_semaphore, #tpu.memory_space<semaphore_mem>>
    %dma_wait3A_106 = tpu.memref_squeeze %dma_wait3A_105 : memref<1x!tpu.dma_semaphore, #tpu.memory_space<semaphore_mem>> -> memref<!tpu.dma_semaphore, #tpu.memory_space<semaphore_mem>>
    %dma_wait3A_107 = arith.constant 0 : i32
    %dma_wait3A_108 = arith.constant 0 : i32
    %dma_wait3A_109 = tpu.memref_slice %arg6[%dma_wait3A, %dma_wait3A_107, %dma_wait3A_108] : memref<6x128x128xf32, #tpu.memory_space<vmem>> -> memref<1x128x128xf32, #tpu.memory_space<vmem>>
    %dma_wait3A_110 = tpu.memref_squeeze %dma_wait3A_109 : memref<1x128x128xf32, #tpu.memory_space<vmem>> -> memref<128x128xf32, #tpu.memory_space<vmem>>
    %dma_wait3A_111 = arith.constant 0 : i32
    %dma_wait3A_112 = arith.constant 0 : i32
    %dma_wait3A_113 = tpu.memref_slice %arg2[%dma_wait3A_111, %dma_wait3A_112] : memref<26000x128xf32, #tpu.memory_space<hbm>> -> memref<128x128xf32, #tpu.memory_space<hbm>>
    tpu.wait_dma2 semaphore(%dma_wait3A_106 : memref<!tpu.dma_semaphore, #tpu.memory_space<semaphore_mem>>) src(%dma_wait3A_113 : memref<128x128xf32, #tpu.memory_space<hbm>>) dst(%dma_wait3A_110 : memref<128x128xf32, #tpu.memory_space<vmem>>)
    %dma_wait3A_114 = arith.constant 1 : i32
    %dma_wait3A_115 = arith.constant 1 : i32
    %dma_wait3A_116 = arith.constant 0 : i32
    %dma_wait3A_117 = arith.constant 0 : i32
    %dma_wait3A_118 = tpu.memref_slice %arg6[%dma_wait3A_114, %dma_wait3A_116, %dma_wait3A_117] : memref<6x128x128xf32, #tpu.memory_space<vmem>> -> memref<1x128x128xf32, #tpu.memory_space<vmem>>
    %dma_wait3A_119 = tpu.memref_squeeze %dma_wait3A_118 : memref<1x128x128xf32, #tpu.memory_space<vmem>> -> memref<128x128xf32, #tpu.memory_space<vmem>>
    %dma_wait3A_120 = arith.constant 0 : i32
    %dma_wait3A_121 = arith.constant 0 : i32
    %dma_wait3A_122 = tpu.memref_slice %arg2[%dma_wait3A_120, %dma_wait3A_121] : memref<26000x128xf32, #tpu.memory_space<hbm>> -> memref<128x128xf32, #tpu.memory_space<hbm>>
    %dma_wait3A_123 = tpu.memref_slice %arg8[%dma_wait3A_115] : memref<6x!tpu.dma_semaphore, #tpu.memory_space<semaphore_mem>> -> memref<1x!tpu.dma_semaphore, #tpu.memory_space<semaphore_mem>>
    %dma_wait3A_124 = tpu.memref_squeeze %dma_wait3A_123 : memref<1x!tpu.dma_semaphore, #tpu.memory_space<semaphore_mem>> -> memref<!tpu.dma_semaphore, #tpu.memory_space<semaphore_mem>>
    %dma_wait3A_125 = arith.constant 0 : i32
    %dma_wait3A_126 = arith.constant 0 : i32
    %dma_wait3A_127 = tpu.memref_slice %arg6[%dma_wait3A_114, %dma_wait3A_125, %dma_wait3A_126] : memref<6x128x128xf32, #tpu.memory_space<vmem>> -> memref<1x128x128xf32, #tpu.memory_space<vmem>>
    %dma_wait3A_128 = tpu.memref_squeeze %dma_wait3A_127 : memref<1x128x128xf32, #tpu.memory_space<vmem>> -> memref<128x128xf32, #tpu.memory_space<vmem>>
    %dma_wait3A_129 = arith.constant 0 : i32
    %dma_wait3A_130 = arith.constant 0 : i32
    %dma_wait3A_131 = tpu.memref_slice %arg2[%dma_wait3A_129, %dma_wait3A_130] : memref<26000x128xf32, #tpu.memory_space<hbm>> -> memref<128x128xf32, #tpu.memory_space<hbm>>
    tpu.wait_dma2 semaphore(%dma_wait3A_124 : memref<!tpu.dma_semaphore, #tpu.memory_space<semaphore_mem>>) src(%dma_wait3A_131 : memref<128x128xf32, #tpu.memory_space<hbm>>) dst(%dma_wait3A_128 : memref<128x128xf32, #tpu.memory_space<vmem>>)
    %dma_wait3A_132 = arith.constant 2 : i32
    %dma_wait3A_133 = arith.constant 2 : i32
    %dma_wait3A_134 = arith.constant 0 : i32
    %dma_wait3A_135 = arith.constant 0 : i32
    %dma_wait3A_136 = tpu.memref_slice %arg6[%dma_wait3A_132, %dma_wait3A_134, %dma_wait3A_135] : memref<6x128x128xf32, #tpu.memory_space<vmem>> -> memref<1x128x128xf32, #tpu.memory_space<vmem>>
    %dma_wait3A_137 = tpu.memref_squeeze %dma_wait3A_136 : memref<1x128x128xf32, #tpu.memory_space<vmem>> -> memref<128x128xf32, #tpu.memory_space<vmem>>
    %dma_wait3A_138 = arith.constant 0 : i32
    %dma_wait3A_139 = arith.constant 0 : i32
    %dma_wait3A_140 = tpu.memref_slice %arg2[%dma_wait3A_138, %dma_wait3A_139] : memref<26000x128xf32, #tpu.memory_space<hbm>> -> memref<128x128xf32, #tpu.memory_space<hbm>>
    %dma_wait3A_141 = tpu.memref_slice %arg8[%dma_wait3A_133] : memref<6x!tpu.dma_semaphore, #tpu.memory_space<semaphore_mem>> -> memref<1x!tpu.dma_semaphore, #tpu.memory_space<semaphore_mem>>
    %dma_wait3A_142 = tpu.memref_squeeze %dma_wait3A_141 : memref<1x!tpu.dma_semaphore, #tpu.memory_space<semaphore_mem>> -> memref<!tpu.dma_semaphore, #tpu.memory_space<semaphore_mem>>
    %dma_wait3A_143 = arith.constant 0 : i32
    %dma_wait3A_144 = arith.constant 0 : i32
    %dma_wait3A_145 = tpu.memref_slice %arg6[%dma_wait3A_132, %dma_wait3A_143, %dma_wait3A_144] : memref<6x128x128xf32, #tpu.memory_space<vmem>> -> memref<1x128x128xf32, #tpu.memory_space<vmem>>
    %dma_wait3A_146 = tpu.memref_squeeze %dma_wait3A_145 : memref<1x128x128xf32, #tpu.memory_space<vmem>> -> memref<128x128xf32, #tpu.memory_space<vmem>>
    %dma_wait3A_147 = arith.constant 0 : i32
    %dma_wait3A_148 = arith.constant 0 : i32
    %dma_wait3A_149 = tpu.memref_slice %arg2[%dma_wait3A_147, %dma_wait3A_148] : memref<26000x128xf32, #tpu.memory_space<hbm>> -> memref<128x128xf32, #tpu.memory_space<hbm>>
    tpu.wait_dma2 semaphore(%dma_wait3A_142 : memref<!tpu.dma_semaphore, #tpu.memory_space<semaphore_mem>>) src(%dma_wait3A_149 : memref<128x128xf32, #tpu.memory_space<hbm>>) dst(%dma_wait3A_146 : memref<128x128xf32, #tpu.memory_space<vmem>>)
    %dma_wait3A_150 = arith.constant 3 : i32
    %dma_wait3A_151 = arith.constant 3 : i32
    %dma_wait3A_152 = arith.constant 0 : i32
    %dma_wait3A_153 = arith.constant 0 : i32
    %dma_wait3A_154 = tpu.memref_slice %arg6[%dma_wait3A_150, %dma_wait3A_152, %dma_wait3A_153] : memref<6x128x128xf32, #tpu.memory_space<vmem>> -> memref<1x128x128xf32, #tpu.memory_space<vmem>>
    %dma_wait3A_155 = tpu.memref_squeeze %dma_wait3A_154 : memref<1x128x128xf32, #tpu.memory_space<vmem>> -> memref<128x128xf32, #tpu.memory_space<vmem>>
    %dma_wait3A_156 = arith.constant 0 : i32
    %dma_wait3A_157 = arith.constant 0 : i32
    %dma_wait3A_158 = tpu.memref_slice %arg2[%dma_wait3A_156, %dma_wait3A_157] : memref<26000x128xf32, #tpu.memory_space<hbm>> -> memref<128x128xf32, #tpu.memory_space<hbm>>
    %dma_wait3A_159 = tpu.memref_slice %arg8[%dma_wait3A_151] : memref<6x!tpu.dma_semaphore, #tpu.memory_space<semaphore_mem>> -> memref<1x!tpu.dma_semaphore, #tpu.memory_space<semaphore_mem>>
    %dma_wait3A_160 = tpu.memref_squeeze %dma_wait3A_159 : memref<1x!tpu.dma_semaphore, #tpu.memory_space<semaphore_mem>> -> memref<!tpu.dma_semaphore, #tpu.memory_space<semaphore_mem>>
    %dma_wait3A_161 = arith.constant 0 : i32
    %dma_wait3A_162 = arith.constant 0 : i32
    %dma_wait3A_163 = tpu.memref_slice %arg6[%dma_wait3A_150, %dma_wait3A_161, %dma_wait3A_162] : memref<6x128x128xf32, #tpu.memory_space<vmem>> -> memref<1x128x128xf32, #tpu.memory_space<vmem>>
    %dma_wait3A_164 = tpu.memref_squeeze %dma_wait3A_163 : memref<1x128x128xf32, #tpu.memory_space<vmem>> -> memref<128x128xf32, #tpu.memory_space<vmem>>
    %dma_wait3A_165 = arith.constant 0 : i32
    %dma_wait3A_166 = arith.constant 0 : i32
    %dma_wait3A_167 = tpu.memref_slice %arg2[%dma_wait3A_165, %dma_wait3A_166] : memref<26000x128xf32, #tpu.memory_space<hbm>> -> memref<128x128xf32, #tpu.memory_space<hbm>>
    tpu.wait_dma2 semaphore(%dma_wait3A_160 : memref<!tpu.dma_semaphore, #tpu.memory_space<semaphore_mem>>) src(%dma_wait3A_167 : memref<128x128xf32, #tpu.memory_space<hbm>>) dst(%dma_wait3A_164 : memref<128x128xf32, #tpu.memory_space<vmem>>)
    %dma_wait3A_168 = arith.constant 4 : i32
    %dma_wait3A_169 = arith.constant 4 : i32
    %dma_wait3A_170 = arith.constant 0 : i32
    %dma_wait3A_171 = arith.constant 0 : i32
    %dma_wait3A_172 = tpu.memref_slice %arg6[%dma_wait3A_168, %dma_wait3A_170, %dma_wait3A_171] : memref<6x128x128xf32, #tpu.memory_space<vmem>> -> memref<1x128x128xf32, #tpu.memory_space<vmem>>
    %dma_wait3A_173 = tpu.memref_squeeze %dma_wait3A_172 : memref<1x128x128xf32, #tpu.memory_space<vmem>> -> memref<128x128xf32, #tpu.memory_space<vmem>>
    %dma_wait3A_174 = arith.constant 0 : i32
    %dma_wait3A_175 = arith.constant 0 : i32
    %dma_wait3A_176 = tpu.memref_slice %arg2[%dma_wait3A_174, %dma_wait3A_175] : memref<26000x128xf32, #tpu.memory_space<hbm>> -> memref<128x128xf32, #tpu.memory_space<hbm>>
    %dma_wait3A_177 = tpu.memref_slice %arg8[%dma_wait3A_169] : memref<6x!tpu.dma_semaphore, #tpu.memory_space<semaphore_mem>> -> memref<1x!tpu.dma_semaphore, #tpu.memory_space<semaphore_mem>>
    %dma_wait3A_178 = tpu.memref_squeeze %dma_wait3A_177 : memref<1x!tpu.dma_semaphore, #tpu.memory_space<semaphore_mem>> -> memref<!tpu.dma_semaphore, #tpu.memory_space<semaphore_mem>>
    %dma_wait3A_179 = arith.constant 0 : i32
    %dma_wait3A_180 = arith.constant 0 : i32
    %dma_wait3A_181 = tpu.memref_slice %arg6[%dma_wait3A_168, %dma_wait3A_179, %dma_wait3A_180] : memref<6x128x128xf32, #tpu.memory_space<vmem>> -> memref<1x128x128xf32, #tpu.memory_space<vmem>>
    %dma_wait3A_182 = tpu.memref_squeeze %dma_wait3A_181 : memref<1x128x128xf32, #tpu.memory_space<vmem>> -> memref<128x128xf32, #tpu.memory_space<vmem>>
    %dma_wait3A_183 = arith.constant 0 : i32
    %dma_wait3A_184 = arith.constant 0 : i32
    %dma_wait3A_185 = tpu.memref_slice %arg2[%dma_wait3A_183, %dma_wait3A_184] : memref<26000x128xf32, #tpu.memory_space<hbm>> -> memref<128x128xf32, #tpu.memory_space<hbm>>
    tpu.wait_dma2 semaphore(%dma_wait3A_178 : memref<!tpu.dma_semaphore, #tpu.memory_space<semaphore_mem>>) src(%dma_wait3A_185 : memref<128x128xf32, #tpu.memory_space<hbm>>) dst(%dma_wait3A_182 : memref<128x128xf32, #tpu.memory_space<vmem>>)
    %dma_wait3A_186 = arith.constant 5 : i32
    %dma_wait3A_187 = arith.constant 5 : i32
    %dma_wait3A_188 = arith.constant 0 : i32
    %dma_wait3A_189 = arith.constant 0 : i32
    %dma_wait3A_190 = tpu.memref_slice %arg6[%dma_wait3A_186, %dma_wait3A_188, %dma_wait3A_189] : memref<6x128x128xf32, #tpu.memory_space<vmem>> -> memref<1x128x128xf32, #tpu.memory_space<vmem>>
    %dma_wait3A_191 = tpu.memref_squeeze %dma_wait3A_190 : memref<1x128x128xf32, #tpu.memory_space<vmem>> -> memref<128x128xf32, #tpu.memory_space<vmem>>
    %dma_wait3A_192 = arith.constant 0 : i32
    %dma_wait3A_193 = arith.constant 0 : i32
    %dma_wait3A_194 = tpu.memref_slice %arg2[%dma_wait3A_192, %dma_wait3A_193] : memref<26000x128xf32, #tpu.memory_space<hbm>> -> memref<128x128xf32, #tpu.memory_space<hbm>>
    %dma_wait3A_195 = tpu.memref_slice %arg8[%dma_wait3A_187] : memref<6x!tpu.dma_semaphore, #tpu.memory_space<semaphore_mem>> -> memref<1x!tpu.dma_semaphore, #tpu.memory_space<semaphore_mem>>
    %dma_wait3A_196 = tpu.memref_squeeze %dma_wait3A_195 : memref<1x!tpu.dma_semaphore, #tpu.memory_space<semaphore_mem>> -> memref<!tpu.dma_semaphore, #tpu.memory_space<semaphore_mem>>
    %dma_wait3A_197 = arith.constant 0 : i32
    %dma_wait3A_198 = arith.constant 0 : i32
    %dma_wait3A_199 = tpu.memref_slice %arg6[%dma_wait3A_186, %dma_wait3A_197, %dma_wait3A_198] : memref<6x128x128xf32, #tpu.memory_space<vmem>> -> memref<1x128x128xf32, #tpu.memory_space<vmem>>
    %dma_wait3A_200 = tpu.memref_squeeze %dma_wait3A_199 : memref<1x128x128xf32, #tpu.memory_space<vmem>> -> memref<128x128xf32, #tpu.memory_space<vmem>>
    %dma_wait3A_201 = arith.constant 0 : i32
    %dma_wait3A_202 = arith.constant 0 : i32
    %dma_wait3A_203 = tpu.memref_slice %arg2[%dma_wait3A_201, %dma_wait3A_202] : memref<26000x128xf32, #tpu.memory_space<hbm>> -> memref<128x128xf32, #tpu.memory_space<hbm>>
    tpu.wait_dma2 semaphore(%dma_wait3A_196 : memref<!tpu.dma_semaphore, #tpu.memory_space<semaphore_mem>>) src(%dma_wait3A_203 : memref<128x128xf32, #tpu.memory_space<hbm>>) dst(%dma_wait3A_200 : memref<128x128xf32, #tpu.memory_space<vmem>>)
    return
  }
}

module attributes {stable_mosaic.version = 14 : i64} {
  func.func @_mlp_body(%arg0: i32, %arg1: memref<5200x128xf32, #tpu.memory_space<vmem>>, %arg2: memref<128x128xf32, #tpu.memory_space<vmem>>, %arg3: memref<1x128xf32, #tpu.memory_space<vmem>>, %arg4: memref<128x128xf32, #tpu.memory_space<vmem>>, %arg5: memref<1x128xf32, #tpu.memory_space<vmem>>, %arg6: memref<5200x128xf32, #tpu.memory_space<vmem>>) attributes {dimension_semantics = [#tpu.dimension_semantics<arbitrary>], iteration_bounds = array<i64: 5>, scalar_prefetch = 0 : i64, scratch_operands = 0 : i64, tpu.core_type = #tpu.core_type<tc>, window_params = [{transform_indices = @transform_0, window_bounds = array<i64: 5200, 128>}, {pipeline_mode = #tpu.pipeline_mode<synchronous>, transform_indices = @transform_1, window_bounds = array<i64: 128, 128>}, {pipeline_mode = #tpu.pipeline_mode<synchronous>, transform_indices = @transform_2, window_bounds = array<i64: 1, 128>}, {pipeline_mode = #tpu.pipeline_mode<synchronous>, transform_indices = @transform_3, window_bounds = array<i64: 128, 128>}, {pipeline_mode = #tpu.pipeline_mode<synchronous>, transform_indices = @transform_4, window_bounds = array<i64: 1, 128>}, {transform_indices = @transform_5, window_bounds = array<i64: 5200, 128>}]} {
    %get3A = arith.constant 0 : index
    %get3A_0 = arith.constant 0 : index
    %get3A_1 = vector.load %arg1[%get3A, %get3A_0] : memref<5200x128xf32, #tpu.memory_space<vmem>>, vector<5200x128xf32>
    %get3A_2 = arith.constant 0 : index
    %get3A_3 = arith.constant 0 : index
    %get3A_4 = vector.load %arg2[%get3A_2, %get3A_3] : memref<128x128xf32, #tpu.memory_space<vmem>>, vector<128x128xf32>
    %dot_general3A = arith.constant dense<0.000000e+00> : vector<5200x128xf32>
    %dot_general3A_5 = tpu.matmul %get3A_1, %get3A_4, %dot_general3A {dimension_numbers = #tpu.dot_dimension_numbers<[1], [0], [0], [1], [0, 0, 1, 1], [], []>, transpose_lhs_hint = false} : vector<5200x128xf32>, vector<128x128xf32>, vector<5200x128xf32> -> vector<5200x128xf32>
    %get3A_6 = arith.constant 0 : index
    %get3A_7 = arith.constant 0 : index
    %get3A_8 = vector.load %arg3[%get3A_6, %get3A_7] : memref<1x128xf32, #tpu.memory_space<vmem>>, vector<1x128xf32>
    %add3A = vector.broadcast %get3A_8 : vector<1x128xf32> to vector<5200x128xf32>
    %add3A_9 = arith.addf %dot_general3A_5, %add3A : vector<5200x128xf32>
    %mul3A = arith.constant 5.000000e-01 : f32
    %mul3A_10 = vector.broadcast %mul3A : f32 to vector<5200x128xf32>
    %mul3A_11 = arith.mulf %mul3A_10, %add3A_9 : vector<5200x128xf32>
    %mul3A_12 = arith.constant 0.707106769 : f32
    %mul3A_13 = vector.broadcast %mul3A_12 : f32 to vector<5200x128xf32>
    %mul3A_14 = arith.mulf %add3A_9, %mul3A_13 : vector<5200x128xf32>
    %erf3A = math.erf %mul3A_14 : vector<5200x128xf32>
    %add3A_15 = arith.constant 1.000000e+00 : f32
    %add3A_16 = vector.broadcast %add3A_15 : f32 to vector<5200x128xf32>
    %add3A_17 = arith.addf %add3A_16, %erf3A : vector<5200x128xf32>
    %mul3A_18 = arith.mulf %mul3A_11, %add3A_17 : vector<5200x128xf32>
    %get3A_19 = arith.constant 0 : index
    %get3A_20 = arith.constant 0 : index
    %get3A_21 = vector.load %arg4[%get3A_19, %get3A_20] : memref<128x128xf32, #tpu.memory_space<vmem>>, vector<128x128xf32>
    %dot_general3A_22 = arith.constant dense<0.000000e+00> : vector<5200x128xf32>
    %dot_general3A_23 = tpu.matmul %mul3A_18, %get3A_21, %dot_general3A_22 {dimension_numbers = #tpu.dot_dimension_numbers<[1], [0], [0], [1], [0, 0, 1, 1], [], []>, transpose_lhs_hint = false} : vector<5200x128xf32>, vector<128x128xf32>, vector<5200x128xf32> -> vector<5200x128xf32>
    %get3A_24 = arith.constant 0 : index
    %get3A_25 = arith.constant 0 : index
    %get3A_26 = vector.load %arg5[%get3A_24, %get3A_25] : memref<1x128xf32, #tpu.memory_space<vmem>>, vector<1x128xf32>
    %add3A_27 = vector.broadcast %get3A_26 : vector<1x128xf32> to vector<5200x128xf32>
    %add3A_28 = arith.addf %dot_general3A_23, %add3A_27 : vector<5200x128xf32>
    %swap3A = arith.constant 0 : index
    %swap3A_29 = arith.constant 0 : index
    %swap3A_30 = vector.load %arg6[%swap3A, %swap3A_29] : memref<5200x128xf32, #tpu.memory_space<vmem>>, vector<5200x128xf32>
    tpu.vector_store %arg6[%swap3A, %swap3A_29], %add3A_28 {strides = array<i32>} : memref<5200x128xf32, #tpu.memory_space<vmem>>, vector<5200x128xf32>,
    return
  }
  func.func @transform_0(%arg0: i32) -> (i32, i32) {
    %c0_i32 = arith.constant 0 : i32
    %c0_i32_0 = arith.constant 0 : i32
    return %arg0, %c0_i32 : i32, i32
  }
  func.func @transform_1(%arg0: i32) -> (i32, i32) {
    %c0_i32 = arith.constant 0 : i32
    %c0_i32_0 = arith.constant 0 : i32
    %c0_i32_1 = arith.constant 0 : i32
    return %c0_i32, %c0_i32_0 : i32, i32
  }
  func.func @transform_2(%arg0: i32) -> (i32, i32) {
    %c0_i32 = arith.constant 0 : i32
    %c0_i32_0 = arith.constant 0 : i32
    %c0_i32_1 = arith.constant 0 : i32
    return %c0_i32, %c0_i32_0 : i32, i32
  }
  func.func @transform_3(%arg0: i32) -> (i32, i32) {
    %c0_i32 = arith.constant 0 : i32
    %c0_i32_0 = arith.constant 0 : i32
    %c0_i32_1 = arith.constant 0 : i32
    return %c0_i32, %c0_i32_0 : i32, i32
  }
  func.func @transform_4(%arg0: i32) -> (i32, i32) {
    %c0_i32 = arith.constant 0 : i32
    %c0_i32_0 = arith.constant 0 : i32
    %c0_i32_1 = arith.constant 0 : i32
    return %c0_i32, %c0_i32_0 : i32, i32
  }
  func.func @transform_5(%arg0: i32) -> (i32, i32) {
    %c0_i32 = arith.constant 0 : i32
    %c0_i32_0 = arith.constant 0 : i32
    return %arg0, %c0_i32 : i32, i32
  }
}

</mosaic_0001>

<sc_bundles>
// kernel: kernel.4.cloned.1.call-start
scs
__scs_entry_jumppad:
0x0: {  	(pc) =	sbr.rel $0x88, $3  }
0x1: {  	(tag) =	ssettag $0x0;
	lr =	simm.s32 $0x1  }
0x2: {  	[smem:$0x3F9B] =	sst lr;
	_ =	strace $0xD0000000  }
0x3: {  	_ = 	snop  }
0x4: {  	_ = 	snop  }
0x5: {  	_ = 	snop  }
0x6: {  	_ = 	snop  }
0x7: {  	_ = 	snop  }
__scs_overlays_trampoline_lowered:
0x8: {  	[smem:$0x3FAA] =	sst s0  }
0x9: {  	[smem:$0x3FAB] =	sst s1  }
0xa: {  	[smem:$0x3FAC] =	sst s2  }
0xb: {  	[smem:$0x3FAD] =	sst s3  }
0xc: {  	[smem:$0x3FAE] =	sst s4  }
0xd: {  	[smem:$0x3FAF] =	sst s5  }
0xe: {  	[smem:$0x3FB0] =	sst s6  }
0xf: {  	[smem:$0x3FB1] =	sst s7  }
0x10: {  	[smem:$0x3FB2] =	sst s8  }
0x11: {  	[smem:$0x3FB3] =	sst s9;
	s0 =	simm.s32 @!p0 $0x0  }
0x12: {  	s1 =	sld [smem:$0x3F99];
	s0 =	simm.s32 @p0 $0x1  }
0x13: {  	[smem:$0x3FB4] =	sst s0;
	s0 =	simm.s32 @!p1 $0x0  }
0x14: {  	s2 =	sld [smem:$0x3F98];
	s0 =	simm.s32 @p1 $0x1  }
0x15: {  	[smem:$0x3FB5] =	sst s0;
	s0 =	simm.s32 @!p2 $0x0  }
0x16: {  	s3 =	sld [smem:$0x3FDB];
	s0 =	simm.s32 @p2 $0x1  }
0x17: {  	s4 =	simm.s32 $0x1BF5;
	[smem:$0x3FB7] =	sst s0  }
0x18: {  	s0 =	sld [smem:$0x3F9A];
	_ =	swait.ge [sflag:s4], $0x0  }
0x19: {  	s7 =	sld [smem:$0x3F9B]  }
0x1a: {  	s8 =	sadd.s32 $0xFFFFE003, lr  }
0x1b: {  	s9 =	sadd.s32 $0xFFFFFEF7, lr;
	s5 =	simm.s32 $0xFFFFFFFF;
	p2 =	slt.u32 s8, $0xFFFFF086  }
0x1c: {  	p1 =	slt.u32 s9, $0xF7A;
	s5 =	simm.s32 @!p2 $0x0  }
0x1d: {  	s5 =	simm.s32 @p1 $0x1;
	p0 =	seq.s32 s7, s2  }
0x1e: {  	s7 =	smul.u32 @!p0 $0xF7A, s2;
	p2 =	seq.s32 @!p0 s5, $0x0  }
0x1f: {  	s9 =	smul.u32 $0xF7A, s1;
	s8 =	simm.s32 @!p0 $0x1BF5;
	p2 =	por !p2, p0  }
0x20: {  	[sflag:s8] =	ssyncset.s32 @!p0 $0xFFFFF086;
	s6 =	sadd.s32 @!p0 s3, s7;
	s7 =	simm.s32 @!p0 $0x108  }
0x21: {  	s3 =	sadd.s32 s3, s9;
	s6 =	sadd.s32 @!p0 $0x88, s6;
	s7 =	simm.s32 @p2 $0x1082  }
0x22: {  	[simem:s7], [sflag:s8] =	dma.local @!p0 [hbm:s6], $0xF7A  }
0x23: {  	s9 =	sor.u32 $0xD0000000, s2;
	s6 =	simm.s32 $0x108;
	_ =	swait.ge @!p0 [sflag:s8], $0x0  }
0x24: {  	s3 =	sadd.s32 $0x88, s3;
	s6 =	simm.s32 @!p1 $0x1082;
	[sflag:s4] =	ssyncset.s32 $0xFFFFF086  }
0x25: {  	[simem:s6], [sflag:s4] =	dma.local [hbm:s3], $0xF7A  }
0x26: {  	[smem:$0x3F9B] =	sst s1;
	(tag) =	ssettag s2;
	_ =	strace s9  }
0x27: {  	s1 =	sld [smem:$0x3FAB]  }
0x28: {  	s2 =	sld [smem:$0x3FAC]  }
0x29: {  	s4 =	sld [smem:$0x3FAE]  }
0x2a: {  	p0 =	seq.s32 s5, $0x0;
	s5 =	sld [smem:$0x3FAF]  }
0x2b: {  	s6 =	sld [smem:$0x3FB0]  }
0x2c: {  	s7 =	sld [smem:$0x3FB1]  }
0x2d: {  	s3 =	simm.s32 $0x108;
	s8 =	sld [smem:$0x3FB2]  }
0x2e: {  	s3 =	simm.s32 @!p0 $0x1082;
	s9 =	sld [smem:$0x3FB3]  }
0x2f: {  	lr =	sadd.s32 s0, s3;
	s0 =	sld [smem:$0x3FAA]  }
0x30: {  	s3 =	sld [smem:$0x3FAD]  }
0x31: {  	[smem:$0x3FB6] =	sst s10  }
0x32: {  	s10 =	sld [smem:$0x3FB4];
	_ =	sdelay $0x3  }
0x33: {  	p0 =	seq.s32 s10, $0x1;
	s10 =	sld [smem:$0x3FB6];
	_ =	sdelay $0x3  }
0x34: {  	[smem:$0x3FB6] =	sst s10  }
0x35: {  	s10 =	sld [smem:$0x3FB5];
	_ =	sdelay $0x3  }
0x36: {  	p1 =	seq.s32 s10, $0x1;
	s10 =	sld [smem:$0x3FB6];
	_ =	sdelay $0x3  }
0x37: {  	[smem:$0x3FB6] =	sst s10  }
0x38: {  	s10 =	sld [smem:$0x3FB7]  }
0x39: {  	_ = 	snop;
	(pc) =	sbr.ind lr, $3  }
0x3a: {  	_ = 	snop  }
0x3b: {  	_ = 	snop  }
0x3c: {  	p2 =	seq.s32 s10, $0x1;
	s10 =	sld [smem:$0x3FB6]  }
0x3d: {  	_ =	shalt  }
0x3e: {  	_ =	shalt  }
0x3f: {  	_ =	shalt  }
0x40: {  	_ =	shalt  }
0x41: {  	_ =	shalt  }
0x42: {  	_ =	shalt  }
0x43: {  	_ =	shalt  }
0x44: {  	_ =	shalt  }
0x45: {  	_ =	shalt  }
0x46: {  	_ =	shalt  }
0x47: {  	_ =	shalt  }
0x48: {  	_ =	shalt  }
0x49: {  	_ =	shalt  }
0x4a: {  	_ =	shalt  }
0x4b: {  	_ =	shalt  }
0x4c: {  	_ =	shalt  }
0x4d: {  	_ =	shalt  }
0x4e: {  	_ =	shalt  }
0x4f: {  	_ =	shalt  }
0x50: {  	_ =	shalt  }
0x51: {  	_ =	shalt  }
0x52: {  	_ =	shalt  }
0x53: {  	_ =	shalt  }
0x54: {  	_ =	shalt  }
0x55: {  	_ =	shalt  }
0x56: {  	_ =	shalt  }
0x57: {  	_ =	shalt  }
0x58: {  	_ =	shalt  }
0x59: {  	_ =	shalt  }
0x5a: {  	_ =	shalt  }
0x5b: {  	_ =	shalt  }
0x5c: {  	_ =	shalt  }
0x5d: {  	_ =	shalt  }
0x5e: {  	_ =	shalt  }
0x5f: {  	_ =	shalt  }
0x60: {  	_ =	shalt  }
0x61: {  	_ =	shalt  }
0x62: {  	_ =	shalt  }
0x63: {  	_ =	shalt  }
0x64: {  	_ =	shalt  }
0x65: {  	_ =	shalt  }
0x66: {  	_ =	shalt  }
0x67: {  	_ =	shalt  }
0x68: {  	_ =	shalt  }
0x69: {  	_ =	shalt  }
0x6a: {  	_ =	shalt  }
0x6b: {  	_ =	shalt  }
0x6c: {  	_ =	shalt  }
0x6d: {  	_ =	shalt  }
0x6e: {  	_ =	shalt  }
0x6f: {  	_ =	shalt  }
0x70: {  	_ =	shalt  }
0x71: {  	_ =	shalt  }
0x72: {  	_ =	shalt  }
0x73: {  	_ =	shalt  }
0x74: {  	_ =	shalt  }
0x75: {  	_ =	shalt  }
0x76: {  	_ =	shalt  }
0x77: {  	_ =	shalt  }
0x78: {  	_ =	shalt  }
0x79: {  	_ =	shalt  }
0x7a: {  	_ =	shalt  }
0x7b: {  	_ =	shalt  }
0x7c: {  	_ =	shalt  }
0x7d: {  	_ =	shalt  }
0x7e: {  	_ =	shalt  }
0x7f: {  	_ =	shalt  }
0x80: {  	_ =	shalt  }
0x81: {  	_ =	shalt  }
0x82: {  	_ =	shalt  }
0x83: {  	_ =	shalt  }
0x84: {  	_ =	shalt  }
0x85: {  	_ =	shalt  }
0x86: {  	_ =	shalt  }
0x87: {  	_ =	shalt  }
.Lfunc_end0:
.L_simem_size_0:
called_computation_lowered:
.L_overlay_start_0:
0x88: {  	s2 =	sld [smem:$0x3FD9]  }
0x89: {  	s3 =	sld [smem:$0x3FFE];
	_ =	sdelay $0x1  }
0x8a: {  	s1 =	srdreg.scid  }
0x8b: {  	s0 =	sand.u32 $0x1, s1  }
0x8c: {  	s17 =	sshll.u32 s0, $0xA;
	s2 =	sadd.s32 s3, s2  }
0x8d: {  	s2 =	sadd.s32 s2, s17  }
0x8e: {  	[smem:$0x3FC2] =	sst s2  }
0x8f: {  	_ = 	snop  }
0x90: {  	s2 =	sld [smem:$0x3FD0];
	(tm) =	ssettm $0x1  }
0x91: {  	s18 =	sld [smem:$0x3FFB];
	_ =	sdelay $0x3  }
0x92: {  	_ =	strace s18  }
0x93: {  	s3 =	sld [smem:$0x3FFC];
	_ =	sdelay $0x3  }
0x94: {  	_ =	strace s3  }
0x95: {  	s3 =	sld [smem:$0x3FFD];
	_ =	sdelay $0x3  }
0x96: {  	_ =	strace s3  }
0x97: {  	_ =	strace $0x8FFFFFFF  }
0x98: {  	s19 =	sld [smem:$0x3FDB];
	_ =	sdelay $0x1  }
0x99: {  	s4 =	simm.s32 $_scs_section_size  }
0x9a: {  	s5 =	simm.s32 $_size__tile_overlayer_lowered;
	s6 =	simm.s32 $_tile_overlayer_lowered  }
0x9b: {  	s22 =	simm.s32 $0x1BFF;
	s21 =	sshll.u32 s6, $0x1;
	s3 =	sadd.s32 s4, s19  }
0x9c: {  	s7 =	simm.s32 $0x0;
	s20 =	sshll.u32 s5, $0x1;
	s5 =	sadd.s32 s21, s3  }
0x9d: {  	[timem:s7], [sflag:s22] =	dma.local [hbm:s5], s20  }
0x9e: {  	_ =	swait.ge [sflag:s22], s20  }
0x9f: {  	s4 =	ssub.s32 $0x0, s20;
	[sflag:s22] =	ssyncset.done $0x0  }
0xa0: {  	[sflag:s22] =	ssyncadd.s32 s4;
	_ =	sdelay $0x1  }
0xa1: {  	s23 =	simm.s32 $0x1B8B  }
0xa2: {  	_ =	swait.ge [sflag:s23], $0x1  }
0xa3: {  	[sflag:s23] =	ssyncset.done $0x0  }
0xa4: {  	s25 =	simm.s32 $0x1B8E;
	s24 =	sld [smem:$0x3FFE];
	[sflag:s23] =	ssyncadd.s32 $0xFFFFFFFF  }
0xa5: {  	s26 =	simm.s32 $execute0_lowered;
	[smem:$0x3FD2] =	sst s25  }
0xa6: {  	s5 =	sshll.u32 s26, $0x1;
	_ =	strace $0x80000046;
	[dreg:$0x1] =	wrdreg $0xFFFFFFFF  }
0xa7: {  	s28 =	simm.s32 $_size_execute0_lowered;
	s3 =	sadd.s32 s3, s5;
	[dreg:$0x0] =	wrdreg $0x0  }
0xa8: {  	s5 =	sshll.u32 s28, $0x1;
	[dreg:$0x2] =	wrdreg s3  }
0xa9: {  	[dreg:$0x3] =	wrdreg s5  }
0xaa: {  	[dreg:$0x4] =	wrdreg $0xC0  }
0xab: {  	_ =	task [dreg:s7], $0x5FFFF  }
0xac: {  	[dreg:$0x1] =	wrdreg $0xFFFFFFFF  }
0xad: {  	[dreg:$0x0] =	wrdreg $0x60  }
0xae: {  	[dreg:$0x2] =	wrdreg s24  }
0xaf: {  	[dreg:$0x3] =	wrdreg s2  }
0xb0: {  	[dreg:$0x4] =	wrdreg $0x9  }
0xb1: {  	_ =	task.clear_ibuf [dreg:s7], $0x5FFFF;
	_ =	strace $0x90000046  }
0xb2: {  	s29 =	simm.s32 $0x9;
	_ =	strace $0x80000048  }
0xb3: {  	_ =	swait.ge [sflag:s29], $0x1  }
0xb4: {  	[sflag:s29] =	ssyncadd.s32 $0xFFFFFFFF  }
0xb5: {  	_ =	strace $0x90000048  }
0xb6: {  	_ =	sfence  }
0xb7: {  	s30 =	sld [smem:$0x0];
	_ =	sdelay $0x2  }
0xb8: {  	s31 =	sshll.u32 s1, $0xD;
	s1 =	sshrl.u32 s1, $0x2  }
0xb9: {  	s3 =	sand.u32 $0x4000, s31;
	s1 =	sadd.s32 s1, s30  }
0xba: {  	s0 =	sor.u32 s3, s0;
	s1 =	sshll.u32 s1, $0x11  }
0xbb: {  	s0 =	sor.u32 s1, s0  }
0xbc: {  	s0 =	sadd.s32 $0x8F2B, s0  }
0xbd: {  	[sflag:s0] =	ssyncadd.remote.s32 $0x1  }
0xbe: {  	_ =	sfence.sel $0xFFFF  }
0xbf: {  	[dreg:$0x0] =	wrdreg $0xFFFFFFFF;
	(pc) =	sbr.abs _section_cstart, $3  }
0xc0: {  	[dreg:$0x1] =	wrdreg $0xFFFFFFFF  }
0xc1: {  	_ =	task.clear_ibuf [dreg:s7], $0x2FFFF;
	_ =	strace $0x9FFFFFFF  }
0xc2: {  	(tm) =	ssettm $0x7FFFFFFF  }
0xc3: {  	_ =	shalt  }
tec
execute0_lowered:
.L_overlay_start_1:
0x0: {  	(tag) =	ssettag $0x1  }
0x1: {  	s0 =	rddreg [dreg:$0x0]  }
0x2: {  	s1 =	rddreg [dreg:$0x1];
	s2 =	simm.s32 $0x0;
	s3 =	srdreg.scid  }
0x3: {  	s6 =	stileid.u32;
	s14 =	simm.s32 $0xD000;
	s15 =	simm.s32 $0x200  }
0x4: {  	s16 =	simm.s32 $0x11000;
	s17 =	simm.s32 $0x280;
	s18 =	simm.s32 $0x15000  }
0x5: {  	s19 =	simm.s32 $0x7;
	s20 =	simm.s32 $0x8;
	s21 =	simm.s32 $0x9  }
0x6: {  	s22 =	simm.s32 $0xA;
	s23 =	simm.s32 $0xB;
	s24 =	simm.s32 $0xC  }
0x7: {  	s25 =	simm.s32 $0x0;
	[smem:$0x7FF] =	sst s2;
	s4 =	sand.u32 $0x1, s3  }
0x8: {  	s5 =	smul.u32 $0xD0000, s6;
	s6 =	sshll.u32 s6, $0xA;
	s3 =	sadd.s32 $0x4E00, s0  }
0x9: {  	s7 =	sshll.u32 s4, $0x9;
	s8 =	smul.u32 $0x68000, s4;
	s4 =	ssub.s32 $0x2, s4  }
0xa: {  	_ =	strace $0x80000047;
	s6 =	sor.u32 s7, s6;
	s30 =	sshrl.u32 s4, $0x1  }
0xb: {  	s7 =	simm.s32 $0xD;
	s0 =	sadd.s32 s6, s0;
	s5 =	sadd.s32 s8, s5  }
0xc: {  	s6 =	ssub.s32 s4, s30;
	s8 =	simm.s32 $0x80;
	s31 =	sshrl.u32 s5, $0x3  }
0xd: {  	s4 =	sadd.s32 $0xE00, s0;
	s5 =	smax.u32 s6, $0x1;
	s6 =	sadd.s32 s31, s1  }
.LBB2_1:
0xe: {  	[tilespmem:s2], [sflag:$0xD] =	stream.linear.gather [hbm4b:s4+s2], $0xD00, $0x38;
	[tilespmem:$0x19000] =	vst v63  }
0xf: {  	_ =	swait.ge [sflag:s7], $0xD00  }
0x10: {  	[sflag:s7] =	ssyncset.done $0x0  }
0x11: {  	s0 =	simm.s32 $0x1000;
	s11 =	smul.u32 $0xAB, s2;
	[sflag:s7] =	ssyncadd.s32 $0xFFFFF300  }
0x12: {  	[tilespmem:s0], [sflag:$0x1] =	stream.indirect.gather [hbm4b:s3+s8], $0x80, s2, s8, $0xb8;
	[tilespmem:$0x19000] =	vst v63  }
0x13: {  	s0 =	sshrl.u32 s11, $0xA  }
0x14: {  	s1 =	simm.s32 $0x5000;
	s0 =	sand.u32 $0x3F, s0  }
0x15: {  	[tilespmem:s1], [sflag:$0x2] =	stream.indirect.gather [hbm4b:s3+s8], $0x80, s8, s8, $0xb8;
	[tilespmem:$0x19000] =	vst v63  }
0x16: {  	s9 =	simm.s32 $0x100;
	s1 =	simm.s32 $0x9000;
	s0 =	smul.u32 $0x6, s0  }
0x17: {  	[tilespmem:s1], [sflag:$0x3] =	stream.indirect.gather [hbm4b:s3+s8], $0x80, s9, s8, $0xb8;
	[tilespmem:$0x19000] =	vst v63  }
0x18: {  	s10 =	simm.s32 $0x180;
	s28 =	simm.s32 $0x1;
	s0 =	ssub.s32 $0x0, s0  }
0x19: {  	[tilespmem:s14], [sflag:$0x4] =	stream.indirect.gather [hbm4b:s3+s8], $0x80, s10, s8, $0xb8;
	[tilespmem:$0x19000] =	vst v63  }
0x1a: {  	s26 =	simm.s32 $0x300;
	s31 =	simm.s32 $0x2;
	s0 =	sand.u32 $0xFF, s0  }
0x1b: {  	[tilespmem:s16], [sflag:$0x5] =	stream.indirect.gather [hbm4b:s3+s8], $0x80, s15, s8, $0xb8;
	[tilespmem:$0x19000] =	vst v63  }
0x1c: {  	p0 =	por $0x0, $0x0;
	s12 =	smul.u32 $0xAB, s28;
	s29 =	sadd.s32 $0x1, s0  }
0x1d: {  	[tilespmem:s18], [sflag:$0x6] =	stream.indirect.gather [hbm4b:s3+s8], $0x80, s17, s8, $0xb8;
	[tilespmem:$0x19000] =	vst v63  }
0x1e: {  	s30 =	sadd.s32 $0x800, s6;
	s1 =	sshrl.u32 s12, $0xA;
	_ =	swait.ge [sflag:s29], $0x4000  }
0x1f: {  	s13 =	sand.u32 $0x3F, s1;
	s10 =	sshll.u32 s0, $0xE;
	[sflag:s29] =	ssyncset.done $0x0  }
0x20: {  	s9 =	sadd.s32 $0x7, s0;
	s1 =	sor.u32 $0x1000, s10;
	[sflag:s29] =	ssyncadd.s32 $0xFFFFC000  }
0x21: {  	[hbm4b:s6+s2] =	stream.linear.scatter [tilespmem:s1], [sflag:s9], $0x4000, $0x38;
	[tilespmem:$0x19000] =	vst v63  }
0x22: {  	s0 =	simm.s32 $0x300;
	s10 =	smul.u32 $0x6, s13;
	_ =	swait.ge @!p0 [sflag:s9], $0x4000  }
.LBB2_2:
0x23: {  	[sflag:s9] =	ssyncset.done @!p0 $0x0;
	s26 =	sadd.s32 $0x80, s26  }
0x24: {  	s11 =	smov.u32 s28;
	s28 =	smov.u32 s31;
	s31 =	sadd.s32 $0x1, s31  }
0x25: {  	p1 =	sne.s32 s31, $0x1A;
	s10 =	ssub.s32 s11, s10;
	[sflag:s9] =	ssyncadd.s32 @!p0 $0xFFFFC000  }
0x26: {  	s9 =	sand.u32 $0xFF, s10;
	s10 =	simm.s32 @!p0 $0x80  }
0x27: {  	s12 =	sadd.s32 $0x1, s9;
	s13 =	sshll.u32 s9, $0xE  }
0x28: {  	[tilespmem:s1], [sflag:s29] =	stream.indirect.gather @!p0 [hbm4b:s3+s10], $0x80, s0, s10, $0xb8;
	[tilespmem:$0x19000] =	vst v63  }
0x29: {  	s1 =	smul.u32 $0xAB, s28;
	s0 =	smov.u32 s26;
	s29 =	smov.u32 s12  }
.Ltmp0:
0x2a: {  	p0 =	sgt.u32 s11, $0x13;
	_ =	swait.ge [sflag:s29], $0x4000;
	(pc) =	sbr.rel @p1 .LBB2_2-.Ltmp0, $4  }
0x2b: {  	s9 =	sadd.s32 $0x7, s9;
	s1 =	sshrl.u32 s1, $0xA;
	[sflag:s29] =	ssyncset.done $0x0  }
0x2c: {  	s10 =	sand.u32 $0x3F, s1;
	s1 =	sor.u32 $0x1000, s13;
	[sflag:s29] =	ssyncadd.s32 $0xFFFFC000  }
0x2d: {  	[hbm4b:s30+s2] =	stream.linear.scatter [tilespmem:s1], [sflag:s9], $0x4000, $0x38;
	[tilespmem:$0x19000] =	vst v63  }
0x2e: {  	s10 =	smul.u32 $0x6, s10;
	s30 =	sadd.s32 $0x800, s30;
	_ =	swait.ge @!p0 [sflag:s9], $0x4000  }
0x2f: {  	_ = 	snop  }
0x30: {  	[sflag:s9] =	ssyncset.done @!p0 $0x0;
	s10 =	ssub.s32 s28, s10  }
0x31: {  	[sflag:s9] =	ssyncadd.s32 @!p0 $0xFFFFC000;
	s9 =	simm.s32 @!p0 $0x80;
	s10 =	sand.u32 $0xFF, s10  }
0x32: {  	[tilespmem:s1], [sflag:s29] =	stream.indirect.gather @!p0 [hbm4b:s3+s9], $0x80, s0, s9, $0xb8;
	[tilespmem:$0x19000] =	vst v63  }
0x33: {  	s11 =	sadd.s32 $0x1, s10  }
0x34: {  	_ =	swait.ge [sflag:s11], $0x4000  }
0x35: {  	p0 =	sgt.u32 s28, $0x13;
	s31 =	sshll.u32 s10, $0xE;
	[sflag:s11] =	ssyncset.done $0x0  }
0x36: {  	s1 =	sadd.s32 $0x7, s10;
	s0 =	sor.u32 $0x1000, s31;
	[sflag:s11] =	ssyncadd.s32 $0xFFFFC000  }
0x37: {  	[hbm4b:s30+s2] =	stream.linear.scatter [tilespmem:s0], [sflag:s1], $0x4000, $0x38;
	[tilespmem:$0x19000] =	vst v63  }
0x38: {  	_ =	swait.ge @!p0 [sflag:s1], $0x4000  }
0x39: {  	[sflag:s1] =	ssyncset.done @!p0 $0x0  }
0x3a: {  	s9 =	sadd.s32 $0x80, s26;
	[sflag:s1] =	ssyncadd.s32 @!p0 $0xFFFFC000;
	s1 =	simm.s32 @!p0 $0x80  }
0x3b: {  	[tilespmem:s0], [sflag:s11] =	stream.indirect.gather @!p0 [hbm4b:s3+s1], $0x80, s9, s1, $0xb8;
	[tilespmem:$0x19000] =	vst v63  }
0x3c: {  	_ =	swait.ge [sflag:s19], $0x4000  }
0x3d: {  	[sflag:s19] =	ssyncset.done $0x0  }
0x3e: {  	[sflag:s19] =	ssyncadd.s32 $0xFFFFC000  }
0x3f: {  	_ =	swait.ge [sflag:s20], $0x4000  }
0x40: {  	[sflag:s20] =	ssyncset.done $0x0  }
0x41: {  	[sflag:s20] =	ssyncadd.s32 $0xFFFFC000  }
0x42: {  	_ =	swait.ge [sflag:s21], $0x4000  }
0x43: {  	[sflag:s21] =	ssyncset.done $0x0  }
0x44: {  	[sflag:s21] =	ssyncadd.s32 $0xFFFFC000  }
0x45: {  	_ =	swait.ge [sflag:s22], $0x4000  }
0x46: {  	[sflag:s22] =	ssyncset.done $0x0  }
0x47: {  	s25 =	sadd.s32 $0x1, s25;
	[sflag:s22] =	ssyncadd.s32 $0xFFFFC000  }
0x48: {  	p0 =	sne.s32 s25, s5;
	_ =	swait.ge [sflag:s23], $0x4000  }
.Ltmp1:
0x49: {  	[sflag:s23] =	ssyncset.done $0x0;
	(pc) =	sbr.rel @p0 .LBB2_1-.Ltmp1, $4  }
0x4a: {  	[sflag:s23] =	ssyncadd.s32 $0xFFFFC000  }
0x4b: {  	_ =	swait.ge [sflag:s24], $0x4000  }
0x4c: {  	[sflag:s24] =	ssyncset.done $0x0  }
0x4d: {  	[sflag:s24] =	ssyncadd.s32 $0xFFFFC000  }
0x4e: {  	_ =	sfence.sel $0x180000  }
0x4f: {  	[bflag:$0x0] =	sbarrier.arrive $0xFFFF  }
0x50: {  	_ =	strace $0x90000047  }
0x51: {  	s0 =	stileid.u32;
	[bflag:$0x2] =	sbarrier.arrive $0xFFFF  }
0x52: {  	p0 =	sne.s32 s0, $0x0;
	s0 =	rddreg [dreg:$0x2]  }
0x53: {  	s0 =	sadd.s32 @!p0 $0x100000, s0  }
0x54: {  	[sflag:s0] =	ssyncadd.tile.s32 @!p0 $0x1;
	_ =	shalt  }
.Lfunc_end2:
_tile_overlayer_lowered:
.L_overlay_start_2:
0x55: {  	(tag) =	ssettag $0x2  }
0x56: {  	s0 =	rddreg [dreg:$0x0];
	s2 =	stileid.u32  }
0x57: {  	s1 =	rddreg [dreg:$0x1];
	p0 =	sne.s32 s2, $0x0  }
0x58: {  	s3 =	rddreg [dreg:$0x2];
	[bflag:$0x3] =	sbarrier.arrive $0xFFFF;
	s2 =	simm.s32 @!p0 $0x1C0D  }
0x59: {  	[timem:s3], [sflag:s2] =	dma.local @!p0 [hbm:s0], s1  }
0x5a: {  	s0 =	simm.s32 @!p0 $0xD  }
0x5b: {  	_ =	swait.ge @!p0 [sflag:s0], s1  }
0x5c: {  	s1 =	ssub.s32 @!p0 $0x0, s1;
	[sflag:s0] =	ssyncset.done @!p0 $0x0  }
0x5d: {  	[sflag:s0] =	ssyncadd.s32 @!p0 s1  }
0x5e: {  	[bflag:$0x3] =	sbarrier.arrive $0xFFFF  }
0x5f: {  	_ =	shalt  }

</sc_bundles>
